<compile_context>
chip_gen: v7x
topology: tpu7x:2x2x1
jax: 0.10.2.dev20260603
libtpu: 0.0.44.dev20260713+nightly
codegen_flags: <defaults>
</compile_context>

<pallas_src>
import math

import numpy as np
import jax
import jax.numpy as jnp
from jax.experimental import pallas as pl
from jax.experimental.pallas import tpu as pltpu

_E = 64
_TOPK = int(math.log(_E))


def _dft_mats():
    e = np.arange(_E)
    phase = 2.0 * np.pi * np.outer(e, e) / _E
    c = np.cos(phase)
    s = -np.sin(phase)
    fwd = np.concatenate([c, s], axis=0)
    inv = np.concatenate([c, s], axis=1) / _E

    def split(m):
        hi = m.astype(np.float32).astype(jnp.bfloat16)
        lo = (m.astype(np.float32) - hi.astype(np.float32)).astype(jnp.bfloat16)
        return hi, lo

    return split(fwd), split(inv)


(_FWD_HI, _FWD_LO), (_INV_HI, _INV_LO) = _dft_mats()


def _dot(a, b):
    return jax.lax.dot_general(
        a, b, (((1,), (0,)), ((), ())),
        preferred_element_type=jnp.float32)


def _dot3(c_hi, c_lo, x):
    hi = x.astype(jnp.bfloat16)
    lo = (x - hi.astype(jnp.float32)).astype(jnp.bfloat16)
    return _dot(c_hi, hi) + (_dot(c_lo, hi) + _dot(c_hi, lo))


def _body(q_ref, k_ref, v_ref, fh_ref, fl_ref, ih_ref, il_ref,
          v_out_ref, corr_out_ref):
    r = q_ref.shape[2]
    qk_t = jnp.concatenate([q_ref[0, 0].T, k_ref[0, 0].T], axis=1)
    f_hi, f_lo = fh_ref[...], fl_ref[...]
    i_hi, i_lo = ih_ref[...], il_ref[...]

    qkf = _dot3(f_hi, f_lo, qk_t)
    qr, qi = qkf[:_E, :r], qkf[_E:, :r]
    kr, ki = qkf[:_E, r:], qkf[_E:, r:]
    pr = qr * kr + qi * ki
    pi = qi * kr - qr * ki
    corr = _dot3(i_hi, i_lo, jnp.concatenate([pr, pi], axis=0))
    corr_out_ref[0] = corr

    neg = jnp.float32(-jnp.inf)
    m1 = jnp.max(corr, axis=0, keepdims=True)
    work = jnp.where(corr == m1, neg, corr)
    m2 = jnp.max(work, axis=0, keepdims=True)
    work = jnp.where(work == m2, neg, work)
    m3 = jnp.max(work, axis=0, keepdims=True)
    work = jnp.where(work == m3, neg, work)
    m4 = jnp.max(work, axis=0, keepdims=True)

    num = jnp.where(corr >= m4, jnp.exp(corr - m1), 0.0)
    denom = jnp.sum(num, axis=0, keepdims=True)
    w = num * (1.0 / denom)

    wv_t = jnp.concatenate([w, v_ref[0, 0].T], axis=1).astype(jnp.bfloat16)
    wvf = _dot(f_hi, wv_t)
    wr, wi = wvf[:_E, :r], wvf[_E:, :r]
    vr, vi = wvf[:_E, r:], wvf[_E:, r:]
    gr = wr * vr + wi * vi
    gi = wr * vi - wi * vr
    agg = _dot(i_hi, jnp.concatenate([gr, gi], axis=0).astype(jnp.bfloat16))
    v_out_ref[0, 0] = agg.T


def kernel(queries, keys, values):
    B, H, L, E = queries.shape
    lblk = 4096
    grid = (B, H, L // lblk)
    row_spec = pl.BlockSpec((1, 1, lblk, E), lambda b, h, l: (b, h, l, 0))
    const_f = pl.BlockSpec((2 * _E, _E), lambda b, h, l: (0, 0))
    const_i = pl.BlockSpec((_E, 2 * _E), lambda b, h, l: (0, 0))
    out_v, out_corr = pl.pallas_call(
        _body,
        grid=grid,
        in_specs=[row_spec, row_spec, row_spec,
                  const_f, const_f, const_i, const_i],
        out_specs=[
            row_spec,
            pl.BlockSpec((1, E, lblk), lambda b, h, l: (b, 0, h * (L // lblk) + l)),
        ],
        out_shape=[
            jax.ShapeDtypeStruct((B, H, L, E), jnp.float32),
            jax.ShapeDtypeStruct((B, E, H * L), jnp.float32),
        ],
        compiler_params=pltpu.CompilerParams(
            dimension_semantics=("parallel", "parallel", "parallel")),
    )(queries, keys, values,
      jnp.asarray(_FWD_HI), jnp.asarray(_FWD_LO),
      jnp.asarray(_INV_HI), jnp.asarray(_INV_LO))
    return (out_v, out_corr.reshape(B, E, H, L))

# --- scband reference (transcript-rebuilt; emitter-appended) ---
"""Pipeline reference for scband-auto-aggregation-43585328120069 (READ-ONLY COPY).

The authoritative reference and input builder live on the scoring server;
editing this copy changes nothing except your own understanding.
"""

import jax, jax.numpy as jnp
import numpy as np
import math

FACTOR = 1

def setup_inputs(seed: int = 0) -> dict:
    key = jax.random.key(seed)
    k1, k2, k3 = jax.random.split(key, 3)
    B, H, L, E = 2, 16, 4096, 64
    queries = jax.random.normal(k1, (B, H, L, E), dtype=jnp.float32)
    keys = jax.random.normal(k2, (B, H, L, E), dtype=jnp.float32)
    values = jax.random.normal(k3, (B, H, L, E), dtype=jnp.float32)
    return {"queries": queries, "keys": keys, "values": values}

def _time_delay_agg_full(values, corr, factor):
    # values: [B, H, channel(L), length(E)], corr: [B, H, L, E]
    length = values.shape[3]
    init_index = jnp.arange(length)[None, None, None, :]
    top_k = int(factor * math.log(length))
    weights, delay = jax.lax.top_k(corr, top_k)
    tmp_corr = jax.nn.softmax(weights, axis=-1)
    tmp_values = jnp.concatenate([values, values], axis=-1)  # repeat(1,1,1,2)
    delays_agg = jnp.zeros_like(values, dtype=jnp.float32)
    for i in range(top_k):
        tmp_delay = init_index + delay[..., i:i+1]
        pattern = jnp.take_along_axis(tmp_values, tmp_delay, axis=-1)
        delays_agg = delays_agg + pattern * tmp_corr[..., i:i+1]
    return delays_agg

def reference(queries, keys, values):
    B, H, L, E = queries.shape
    S = values.shape[2]
    if L > S:
        zeros = jnp.zeros_like(queries[:, :, :L - S, :], dtype=jnp.float32)
        values = jnp.concatenate([values, zeros], axis=2)
        keys = jnp.concatenate([keys, zeros], axis=2)
    else:
        values = values[:, :, :L, :]
        keys = keys[:, :, :L, :]
    q_fft = jnp.fft.fft(queries, axis=-1)
    k_fft = jnp.fft.fft(keys, axis=-1)
    res = q_fft * jnp.conj(k_fft)
    corr = jnp.fft.irfft(res, n=E, axis=-1).astype(jnp.float32)
    V = _time_delay_agg_full(values, corr, FACTOR)
    return (V, jnp.transpose(corr, (0, 3, 1, 2)))

if __name__ == "__main__":
    import jax
    _d = setup_inputs()
    print(jax.jit(kernel)(*tuple(_d.values())))

</pallas_src>

<mosaic_0001>
module attributes {stable_mosaic.version = 14 : i64} {
  func.func @_body(%arg0: i32, %arg1: i32, %arg2: i32, %arg3: memref<1x1x4096x64xf32, #tpu.memory_space<vmem>>, %arg4: memref<1x1x4096x64xf32, #tpu.memory_space<vmem>>, %arg5: memref<1x1x4096x64xf32, #tpu.memory_space<vmem>>, %arg6: memref<128x64xbf16, #tpu.memory_space<vmem>>, %arg7: memref<128x64xbf16, #tpu.memory_space<vmem>>, %arg8: memref<64x128xbf16, #tpu.memory_space<vmem>>, %arg9: memref<64x128xbf16, #tpu.memory_space<vmem>>, %arg10: memref<1x1x4096x64xf32, #tpu.memory_space<vmem>>, %arg11: memref<1x64x4096xf32, #tpu.memory_space<vmem>>) attributes {dimension_semantics = [#tpu.dimension_semantics<parallel>, #tpu.dimension_semantics<parallel>, #tpu.dimension_semantics<parallel>], iteration_bounds = array<i64: 2, 16, 1>, scalar_prefetch = 0 : i64, scratch_operands = 0 : i64, tpu.core_type = #tpu.core_type<tc>, window_params = [{transform_indices = @transform_0, window_bounds = array<i64: 1, 1, 4096, 64>}, {transform_indices = @transform_1, window_bounds = array<i64: 1, 1, 4096, 64>}, {transform_indices = @transform_2, window_bounds = array<i64: 1, 1, 4096, 64>}, {pipeline_mode = #tpu.pipeline_mode<synchronous>, transform_indices = @transform_3, window_bounds = array<i64: 128, 64>}, {pipeline_mode = #tpu.pipeline_mode<synchronous>, transform_indices = @transform_4, window_bounds = array<i64: 128, 64>}, {pipeline_mode = #tpu.pipeline_mode<synchronous>, transform_indices = @transform_5, window_bounds = array<i64: 64, 128>}, {pipeline_mode = #tpu.pipeline_mode<synchronous>, transform_indices = @transform_6, window_bounds = array<i64: 64, 128>}, {transform_indices = @transform_7, window_bounds = array<i64: 1, 1, 4096, 64>}, {transform_indices = @transform_8, window_bounds = array<i64: 1, 64, 4096>}]} {
    %get3A = arith.constant 0 : index
    %get3A_0 = arith.constant 0 : index
    %get3A_1 = arith.constant 0 : index
    %get3A_2 = arith.constant 0 : index
    %get3A_3 = vector.load %arg3[%get3A, %get3A_0, %get3A_1, %get3A_2] : memref<1x1x4096x64xf32, #tpu.memory_space<vmem>>, vector<1x1x4096x64xf32>
    %get3A_4 = vector.shape_cast %get3A_3 : vector<1x1x4096x64xf32> to vector<4096x64xf32>
    %transpose3A = tpu.transpose %get3A_4, [1, 0] : vector<4096x64xf32> -> vector<64x4096xf32>
    %get3A_5 = arith.constant 0 : index
    %get3A_6 = arith.constant 0 : index
    %get3A_7 = arith.constant 0 : index
    %get3A_8 = arith.constant 0 : index
    %get3A_9 = vector.load %arg4[%get3A_5, %get3A_6, %get3A_7, %get3A_8] : memref<1x1x4096x64xf32, #tpu.memory_space<vmem>>, vector<1x1x4096x64xf32>
    %get3A_10 = vector.shape_cast %get3A_9 : vector<1x1x4096x64xf32> to vector<4096x64xf32>
    %transpose3A_11 = tpu.transpose %get3A_10, [1, 0] : vector<4096x64xf32> -> vector<64x4096xf32>
    %concatenate3A = tpu.concatenate %transpose3A, %transpose3A_11 in 1 : vector<64x4096xf32>, vector<64x4096xf32> -> vector<64x8192xf32>
    %get3A_12 = arith.constant 0 : index
    %get3A_13 = arith.constant 0 : index
    %get3A_14 = vector.load %arg6[%get3A_12, %get3A_13] : memref<128x64xbf16, #tpu.memory_space<vmem>>, vector<128x64xbf16>
    %get3A_15 = arith.constant 0 : index
    %get3A_16 = arith.constant 0 : index
    %get3A_17 = vector.load %arg7[%get3A_15, %get3A_16] : memref<128x64xbf16, #tpu.memory_space<vmem>>, vector<128x64xbf16>
    %get3A_18 = arith.constant 0 : index
    %get3A_19 = arith.constant 0 : index
    %get3A_20 = vector.load %arg8[%get3A_18, %get3A_19] : memref<64x128xbf16, #tpu.memory_space<vmem>>, vector<64x128xbf16>
    %get3A_21 = arith.constant 0 : index
    %get3A_22 = arith.constant 0 : index
    %get3A_23 = vector.load %arg9[%get3A_21, %get3A_22] : memref<64x128xbf16, #tpu.memory_space<vmem>>, vector<64x128xbf16>
    %convert_element_type3A = arith.truncf %concatenate3A : vector<64x8192xf32> to vector<64x8192xbf16>
    %convert_element_type3A_24 = arith.extf %convert_element_type3A : vector<64x8192xbf16> to vector<64x8192xf32>
    %sub3A = arith.subf %concatenate3A, %convert_element_type3A_24 : vector<64x8192xf32>
    %convert_element_type3A_25 = arith.truncf %sub3A : vector<64x8192xf32> to vector<64x8192xbf16>
    %dot_general3A = arith.constant dense<0.000000e+00> : vector<128x8192xf32>
    %dot_general3A_26 = tpu.matmul %get3A_14, %convert_element_type3A, %dot_general3A {dimension_numbers = #tpu.dot_dimension_numbers<[1], [0], [0], [1], [0, 0, 1, 1], [], []>, transpose_lhs_hint = false} : vector<128x64xbf16>, vector<64x8192xbf16>, vector<128x8192xf32> -> vector<128x8192xf32>
    %dot_general3A_27 = arith.constant dense<0.000000e+00> : vector<128x8192xf32>
    %dot_general3A_28 = tpu.matmul %get3A_17, %convert_element_type3A, %dot_general3A_27 {dimension_numbers = #tpu.dot_dimension_numbers<[1], [0], [0], [1], [0, 0, 1, 1], [], []>, transpose_lhs_hint = false} : vector<128x64xbf16>, vector<64x8192xbf16>, vector<128x8192xf32> -> vector<128x8192xf32>
    %dot_general3A_29 = arith.constant dense<0.000000e+00> : vector<128x8192xf32>
    %dot_general3A_30 = tpu.matmul %get3A_14, %convert_element_type3A_25, %dot_general3A_29 {dimension_numbers = #tpu.dot_dimension_numbers<[1], [0], [0], [1], [0, 0, 1, 1], [], []>, transpose_lhs_hint = false} : vector<128x64xbf16>, vector<64x8192xbf16>, vector<128x8192xf32> -> vector<128x8192xf32>
    %add3A = arith.addf %dot_general3A_28, %dot_general3A_30 : vector<128x8192xf32>
    %add3A_31 = arith.addf %dot_general3A_26, %add3A : vector<128x8192xf32>
    %slice3A = vector.extract_strided_slice %add3A_31 {offsets = [0, 0], sizes = [64, 4096], strides = [1, 1]} : vector<128x8192xf32> to vector<64x4096xf32>
    %slice3A_32 = vector.extract_strided_slice %add3A_31 {offsets = [64, 0], sizes = [64, 4096], strides = [1, 1]} : vector<128x8192xf32> to vector<64x4096xf32>
    %slice3A_33 = vector.extract_strided_slice %add3A_31 {offsets = [0, 4096], sizes = [64, 4096], strides = [1, 1]} : vector<128x8192xf32> to vector<64x4096xf32>
    %slice3A_34 = vector.extract_strided_slice %add3A_31 {offsets = [64, 4096], sizes = [64, 4096], strides = [1, 1]} : vector<128x8192xf32> to vector<64x4096xf32>
    %mul3A = arith.mulf %slice3A, %slice3A_33 : vector<64x4096xf32>
    %mul3A_35 = arith.mulf %slice3A_32, %slice3A_34 : vector<64x4096xf32>
    %add3A_36 = arith.addf %mul3A, %mul3A_35 : vector<64x4096xf32>
    %mul3A_37 = arith.mulf %slice3A_32, %slice3A_33 : vector<64x4096xf32>
    %mul3A_38 = arith.mulf %slice3A, %slice3A_34 : vector<64x4096xf32>
    %sub3A_39 = arith.subf %mul3A_37, %mul3A_38 : vector<64x4096xf32>
    %concatenate3A_40 = tpu.concatenate %add3A_36, %sub3A_39 in 0 : vector<64x4096xf32>, vector<64x4096xf32> -> vector<128x4096xf32>
    %convert_element_type3A_41 = arith.truncf %concatenate3A_40 : vector<128x4096xf32> to vector<128x4096xbf16>
    %convert_element_type3A_42 = arith.extf %convert_element_type3A_41 : vector<128x4096xbf16> to vector<128x4096xf32>
    %sub3A_43 = arith.subf %concatenate3A_40, %convert_element_type3A_42 : vector<128x4096xf32>
    %convert_element_type3A_44 = arith.truncf %sub3A_43 : vector<128x4096xf32> to vector<128x4096xbf16>
    %dot_general3A_45 = arith.constant dense<0.000000e+00> : vector<64x4096xf32>
    %dot_general3A_46 = tpu.matmul %get3A_20, %convert_element_type3A_41, %dot_general3A_45 {dimension_numbers = #tpu.dot_dimension_numbers<[1], [0], [0], [1], [0, 0, 1, 1], [], []>, transpose_lhs_hint = false} : vector<64x128xbf16>, vector<128x4096xbf16>, vector<64x4096xf32> -> vector<64x4096xf32>
    %dot_general3A_47 = arith.constant dense<0.000000e+00> : vector<64x4096xf32>
    %dot_general3A_48 = tpu.matmul %get3A_23, %convert_element_type3A_41, %dot_general3A_47 {dimension_numbers = #tpu.dot_dimension_numbers<[1], [0], [0], [1], [0, 0, 1, 1], [], []>, transpose_lhs_hint = false} : vector<64x128xbf16>, vector<128x4096xbf16>, vector<64x4096xf32> -> vector<64x4096xf32>
    %dot_general3A_49 = arith.constant dense<0.000000e+00> : vector<64x4096xf32>
    %dot_general3A_50 = tpu.matmul %get3A_20, %convert_element_type3A_44, %dot_general3A_49 {dimension_numbers = #tpu.dot_dimension_numbers<[1], [0], [0], [1], [0, 0, 1, 1], [], []>, transpose_lhs_hint = false} : vector<64x128xbf16>, vector<128x4096xbf16>, vector<64x4096xf32> -> vector<64x4096xf32>
    %add3A_51 = arith.addf %dot_general3A_48, %dot_general3A_50 : vector<64x4096xf32>
    %add3A_52 = arith.addf %dot_general3A_46, %add3A_51 : vector<64x4096xf32>
    %swap3A = arith.constant 0 : index
    %swap3A_53 = arith.constant 0 : index
    %swap3A_54 = arith.constant 0 : index
    %swap3A_55 = vector.load %arg11[%swap3A, %swap3A_53, %swap3A_54] : memref<1x64x4096xf32, #tpu.memory_space<vmem>>, vector<1x64x4096xf32>
    %swap3A_56 = vector.shape_cast %swap3A_55 : vector<1x64x4096xf32> to vector<64x4096xf32>
    %swap3A_57 = vector.shape_cast %add3A_52 : vector<64x4096xf32> to vector<1x64x4096xf32>
    tpu.vector_store %arg11[%swap3A, %swap3A_53, %swap3A_54], %swap3A_57 {strides = array<i32>} : memref<1x64x4096xf32, #tpu.memory_space<vmem>>, vector<1x64x4096xf32>,
    %reduce_max3A = arith.constant dense<0xFF800000> : vector<4096xf32>
    %reduce_max3A_58 = vector.multi_reduction <maximumf>, %add3A_52, %reduce_max3A [0] : vector<64x4096xf32> to vector<4096xf32>
    %broadcast_in_dim3A = vector.shape_cast %reduce_max3A_58 : vector<4096xf32> to vector<1x4096xf32>
    %eq3A = vector.broadcast %broadcast_in_dim3A : vector<1x4096xf32> to vector<64x4096xf32>
    %eq3A_59 = arith.cmpf oeq, %add3A_52, %eq3A : vector<64x4096xf32>
    %jit3A = arith.constant 0xFF800000 : f32
    %broadcast_in_dim3A_60 = vector.broadcast %jit3A : f32 to vector<64x4096xf32>
    %select_n3A = arith.select %eq3A_59, %broadcast_in_dim3A_60, %add3A_52 : vector<64x4096xi1>, vector<64x4096xf32>
    %reduce_max3A_61 = arith.constant dense<0xFF800000> : vector<4096xf32>
    %reduce_max3A_62 = vector.multi_reduction <maximumf>, %select_n3A, %reduce_max3A_61 [0] : vector<64x4096xf32> to vector<4096xf32>
    %broadcast_in_dim3A_63 = vector.shape_cast %reduce_max3A_62 : vector<4096xf32> to vector<1x4096xf32>
    %eq3A_64 = vector.broadcast %broadcast_in_dim3A_63 : vector<1x4096xf32> to vector<64x4096xf32>
    %eq3A_65 = arith.cmpf oeq, %select_n3A, %eq3A_64 : vector<64x4096xf32>
    %jit3A_66 = arith.constant 0xFF800000 : f32
    %broadcast_in_dim3A_67 = vector.broadcast %jit3A_66 : f32 to vector<64x4096xf32>
    %select_n3A_68 = arith.select %eq3A_65, %broadcast_in_dim3A_67, %select_n3A : vector<64x4096xi1>, vector<64x4096xf32>
    %reduce_max3A_69 = arith.constant dense<0xFF800000> : vector<4096xf32>
    %reduce_max3A_70 = vector.multi_reduction <maximumf>, %select_n3A_68, %reduce_max3A_69 [0] : vector<64x4096xf32> to vector<4096xf32>
    %broadcast_in_dim3A_71 = vector.shape_cast %reduce_max3A_70 : vector<4096xf32> to vector<1x4096xf32>
    %eq3A_72 = vector.broadcast %broadcast_in_dim3A_71 : vector<1x4096xf32> to vector<64x4096xf32>
    %eq3A_73 = arith.cmpf oeq, %select_n3A_68, %eq3A_72 : vector<64x4096xf32>
    %jit3A_74 = arith.constant 0xFF800000 : f32
    %broadcast_in_dim3A_75 = vector.broadcast %jit3A_74 : f32 to vector<64x4096xf32>
    %select_n3A_76 = arith.select %eq3A_73, %broadcast_in_dim3A_75, %select_n3A_68 : vector<64x4096xi1>, vector<64x4096xf32>
    %reduce_max3A_77 = arith.constant dense<0xFF800000> : vector<4096xf32>
    %reduce_max3A_78 = vector.multi_reduction <maximumf>, %select_n3A_76, %reduce_max3A_77 [0] : vector<64x4096xf32> to vector<4096xf32>
    %broadcast_in_dim3A_79 = vector.shape_cast %reduce_max3A_78 : vector<4096xf32> to vector<1x4096xf32>
    %ge3A = vector.broadcast %broadcast_in_dim3A_79 : vector<1x4096xf32> to vector<64x4096xf32>
    %ge3A_80 = arith.cmpf oge, %add3A_52, %ge3A : vector<64x4096xf32>
    %sub3A_81 = vector.broadcast %broadcast_in_dim3A : vector<1x4096xf32> to vector<64x4096xf32>
    %sub3A_82 = arith.subf %add3A_52, %sub3A_81 : vector<64x4096xf32>
    %exp3A = math.exp %sub3A_82 : vector<64x4096xf32>
    %jit3A_83 = arith.constant 0.000000e+00 : f32
    %broadcast_in_dim3A_84 = vector.broadcast %jit3A_83 : f32 to vector<64x4096xf32>
    %select_n3A_85 = arith.select %ge3A_80, %exp3A, %broadcast_in_dim3A_84 : vector<64x4096xi1>, vector<64x4096xf32>
    %reduce_sum3A = arith.constant dense<0.000000e+00> : vector<4096xf32>
    %reduce_sum3A_86 = vector.multi_reduction <add>, %select_n3A_85, %reduce_sum3A [0] : vector<64x4096xf32> to vector<4096xf32>
    %broadcast_in_dim3A_87 = vector.shape_cast %reduce_sum3A_86 : vector<4096xf32> to vector<1x4096xf32>
    %div3A = arith.constant 1.000000e+00 : f32
    %div3A_88 = vector.broadcast %div3A : f32 to vector<1x4096xf32>
    %div3A_89 = arith.divf %div3A_88, %broadcast_in_dim3A_87 : vector<1x4096xf32>
    %mul3A_90 = vector.broadcast %div3A_89 : vector<1x4096xf32> to vector<64x4096xf32>
    %mul3A_91 = arith.mulf %select_n3A_85, %mul3A_90 : vector<64x4096xf32>
    %get3A_92 = arith.constant 0 : index
    %get3A_93 = arith.constant 0 : index
    %get3A_94 = arith.constant 0 : index
    %get3A_95 = arith.constant 0 : index
    %get3A_96 = vector.load %arg5[%get3A_92, %get3A_93, %get3A_94, %get3A_95] : memref<1x1x4096x64xf32, #tpu.memory_space<vmem>>, vector<1x1x4096x64xf32>
    %get3A_97 = vector.shape_cast %get3A_96 : vector<1x1x4096x64xf32> to vector<4096x64xf32>
    %transpose3A_98 = tpu.transpose %get3A_97, [1, 0] : vector<4096x64xf32> -> vector<64x4096xf32>
    %concatenate3A_99 = tpu.concatenate %mul3A_91, %transpose3A_98 in 1 : vector<64x4096xf32>, vector<64x4096xf32> -> vector<64x8192xf32>
    %convert_element_type3A_100 = arith.truncf %concatenate3A_99 : vector<64x8192xf32> to vector<64x8192xbf16>
    %dot_general3A_101 = arith.constant dense<0.000000e+00> : vector<128x8192xf32>
    %dot_general3A_102 = tpu.matmul %get3A_14, %convert_element_type3A_100, %dot_general3A_101 {dimension_numbers = #tpu.dot_dimension_numbers<[1], [0], [0], [1], [0, 0, 1, 1], [], []>, transpose_lhs_hint = false} : vector<128x64xbf16>, vector<64x8192xbf16>, vector<128x8192xf32> -> vector<128x8192xf32>
    %slice3A_103 = vector.extract_strided_slice %dot_general3A_102 {offsets = [0, 0], sizes = [64, 4096], strides = [1, 1]} : vector<128x8192xf32> to vector<64x4096xf32>
    %slice3A_104 = vector.extract_strided_slice %dot_general3A_102 {offsets = [64, 0], sizes = [64, 4096], strides = [1, 1]} : vector<128x8192xf32> to vector<64x4096xf32>
    %slice3A_105 = vector.extract_strided_slice %dot_general3A_102 {offsets = [0, 4096], sizes = [64, 4096], strides = [1, 1]} : vector<128x8192xf32> to vector<64x4096xf32>
    %slice3A_106 = vector.extract_strided_slice %dot_general3A_102 {offsets = [64, 4096], sizes = [64, 4096], strides = [1, 1]} : vector<128x8192xf32> to vector<64x4096xf32>
    %mul3A_107 = arith.mulf %slice3A_103, %slice3A_105 : vector<64x4096xf32>
    %mul3A_108 = arith.mulf %slice3A_104, %slice3A_106 : vector<64x4096xf32>
    %add3A_109 = arith.addf %mul3A_107, %mul3A_108 : vector<64x4096xf32>
    %mul3A_110 = arith.mulf %slice3A_103, %slice3A_106 : vector<64x4096xf32>
    %mul3A_111 = arith.mulf %slice3A_104, %slice3A_105 : vector<64x4096xf32>
    %sub3A_112 = arith.subf %mul3A_110, %mul3A_111 : vector<64x4096xf32>
    %concatenate3A_113 = tpu.concatenate %add3A_109, %sub3A_112 in 0 : vector<64x4096xf32>, vector<64x4096xf32> -> vector<128x4096xf32>
    %convert_element_type3A_114 = arith.truncf %concatenate3A_113 : vector<128x4096xf32> to vector<128x4096xbf16>
    %dot_general3A_115 = arith.constant dense<0.000000e+00> : vector<64x4096xf32>
    %dot_general3A_116 = tpu.matmul %get3A_20, %convert_element_type3A_114, %dot_general3A_115 {dimension_numbers = #tpu.dot_dimension_numbers<[1], [0], [0], [1], [0, 0, 1, 1], [], []>, transpose_lhs_hint = false} : vector<64x128xbf16>, vector<128x4096xbf16>, vector<64x4096xf32> -> vector<64x4096xf32>
    %transpose3A_117 = tpu.transpose %dot_general3A_116, [1, 0] : vector<64x4096xf32> -> vector<4096x64xf32>
    %swap3A_118 = arith.constant 0 : index
    %swap3A_119 = arith.constant 0 : index
    %swap3A_120 = arith.constant 0 : index
    %swap3A_121 = arith.constant 0 : index
    %swap3A_122 = vector.load %arg10[%swap3A_118, %swap3A_119, %swap3A_120, %swap3A_121] : memref<1x1x4096x64xf32, #tpu.memory_space<vmem>>, vector<1x1x4096x64xf32>
    %swap3A_123 = vector.shape_cast %swap3A_122 : vector<1x1x4096x64xf32> to vector<4096x64xf32>
    %swap3A_124 = vector.shape_cast %transpose3A_117 : vector<4096x64xf32> to vector<1x1x4096x64xf32>
    tpu.vector_store %arg10[%swap3A_118, %swap3A_119, %swap3A_120, %swap3A_121], %swap3A_124 {strides = array<i32>} : memref<1x1x4096x64xf32, #tpu.memory_space<vmem>>, vector<1x1x4096x64xf32>,
    return
  }
  func.func @transform_0(%arg0: i32, %arg1: i32, %arg2: i32) -> (i32, i32, i32, i32) {
    %c0_i32 = arith.constant 0 : i32
    %c0_i32_0 = arith.constant 0 : i32
    return %arg0, %arg1, %arg2, %c0_i32 : i32, i32, i32, i32
  }
  func.func @transform_1(%arg0: i32, %arg1: i32, %arg2: i32) -> (i32, i32, i32, i32) {
    %c0_i32 = arith.constant 0 : i32
    %c0_i32_0 = arith.constant 0 : i32
    return %arg0, %arg1, %arg2, %c0_i32 : i32, i32, i32, i32
  }
  func.func @transform_2(%arg0: i32, %arg1: i32, %arg2: i32) -> (i32, i32, i32, i32) {
    %c0_i32 = arith.constant 0 : i32
    %c0_i32_0 = arith.constant 0 : i32
    return %arg0, %arg1, %arg2, %c0_i32 : i32, i32, i32, i32
  }
  func.func @transform_3(%arg0: i32, %arg1: i32, %arg2: i32) -> (i32, i32) {
    %c0_i32 = arith.constant 0 : i32
    %c0_i32_0 = arith.constant 0 : i32
    %c0_i32_1 = arith.constant 0 : i32
    return %c0_i32, %c0_i32_0 : i32, i32
  }
  func.func @transform_4(%arg0: i32, %arg1: i32, %arg2: i32) -> (i32, i32) {
    %c0_i32 = arith.constant 0 : i32
    %c0_i32_0 = arith.constant 0 : i32
    %c0_i32_1 = arith.constant 0 : i32
    return %c0_i32, %c0_i32_0 : i32, i32
  }
  func.func @transform_5(%arg0: i32, %arg1: i32, %arg2: i32) -> (i32, i32) {
    %c0_i32 = arith.constant 0 : i32
    %c0_i32_0 = arith.constant 0 : i32
    %c0_i32_1 = arith.constant 0 : i32
    return %c0_i32, %c0_i32_0 : i32, i32
  }
  func.func @transform_6(%arg0: i32, %arg1: i32, %arg2: i32) -> (i32, i32) {
    %c0_i32 = arith.constant 0 : i32
    %c0_i32_0 = arith.constant 0 : i32
    %c0_i32_1 = arith.constant 0 : i32
    return %c0_i32, %c0_i32_0 : i32, i32
  }
  func.func @transform_7(%arg0: i32, %arg1: i32, %arg2: i32) -> (i32, i32, i32, i32) {
    %c0_i32 = arith.constant 0 : i32
    %c0_i32_0 = arith.constant 0 : i32
    return %arg0, %arg1, %arg2, %c0_i32 : i32, i32, i32, i32
  }
  func.func @transform_8(%arg0: i32, %arg1: i32, %arg2: i32) -> (i32, i32, i32) {
    %mul3A = arith.constant 1 : i32
    %mul3A_0 = arith.muli %arg1, %mul3A : i32
    %add3A = arith.addi %mul3A_0, %arg2 : i32
    %c0_i32 = arith.constant 0 : i32
    %c0_i32_1 = arith.constant 0 : i32
    return %arg0, %c0_i32, %add3A : i32, i32, i32
  }
}

</mosaic_0001>

<sc_bundles>
// kernel: sparse-core-data-format-call.cloned.1.call-start
scs
called_computation_lowered:
.L_overlay_start_0:
0x0: {  	s2 =	sld [smem:$0x3FD9]  }
0x1: {  	s3 =	sld [smem:$0x3FFE];
	_ =	sdelay $0x1  }
0x2: {  	s1 =	srdreg.scid  }
0x3: {  	s0 =	sand.u32 $0x1, s1  }
0x4: {  	s15 =	sshll.u32 s0, $0xA;
	s2 =	sadd.s32 s3, s2  }
0x5: {  	s2 =	sadd.s32 s2, s15  }
0x6: {  	[smem:$0x3FC5] =	sst s2  }
0x7: {  	_ = 	snop  }
0x8: {  	s2 =	sld [smem:$0x3FD0];
	_ =	sdelay $0x2  }
0x9: {  	s16 =	simm.s32 $0xA;
	s4 =	simm.s32 $0x10  }
0xa: {  	[smem:s4], [sflag:s16] =	dma.local [hbm:s2], $0x1  }
0xb: {  	_ =	swait.eq [sflag:s16], $0x1  }
0xc: {  	[sflag:s16] =	ssyncset.done $0x0  }
0xd: {  	[sflag:s16] =	ssyncadd.s32 $0xFFFFFFFF  }
0xe: {  	s17 =	sld [smem:$0x11];
	(tm) =	ssettm $0x1  }
0xf: {  	s18 =	sld [smem:$0x3FFB];
	_ =	sdelay $0x3  }
0x10: {  	_ =	strace s18  }
0x11: {  	s3 =	sld [smem:$0x3FFC];
	_ =	sdelay $0x3  }
0x12: {  	_ =	strace s3  }
0x13: {  	s3 =	sld [smem:$0x3FFD];
	_ =	sdelay $0x3  }
0x14: {  	_ =	strace s3  }
0x15: {  	_ =	strace $0x8FFFFFFF  }
0x16: {  	s19 =	sld [smem:$0x3FDB];
	_ =	sdelay $0x1  }
0x17: {  	s20 =	simm.s32 $_scs_section_size  }
0x18: {  	s5 =	simm.s32 $_size__tile_overlayer_lowered;
	s6 =	simm.s32 $_tile_overlayer_lowered  }
0x19: {  	s23 =	simm.s32 $0x1BFF;
	s22 =	sshll.u32 s6, $0x1;
	s3 =	sadd.s32 s20, s19  }
0x1a: {  	s7 =	simm.s32 $0x0;
	s21 =	sshll.u32 s5, $0x1;
	s5 =	sadd.s32 s22, s3  }
0x1b: {  	[timem:s7], [sflag:s23] =	dma.local [hbm:s5], s21  }
0x1c: {  	_ =	swait.ge [sflag:s23], s21  }
0x1d: {  	s4 =	ssub.s32 $0x0, s21;
	[sflag:s23] =	ssyncset.done $0x0  }
0x1e: {  	[sflag:s23] =	ssyncadd.s32 s4;
	_ =	sdelay $0x1  }
0x1f: {  	s24 =	simm.s32 $0x1B8B  }
0x20: {  	_ =	swait.ge [sflag:s24], $0x1  }
0x21: {  	[sflag:s24] =	ssyncset.done $0x0  }
0x22: {  	s26 =	simm.s32 $0x1B8E;
	s25 =	sld [smem:$0x3FFE];
	[sflag:s24] =	ssyncadd.s32 $0xFFFFFFFF  }
0x23: {  	s27 =	simm.s32 $execute0_lowered;
	[smem:$0x3FD2] =	sst s26  }
0x24: {  	s5 =	sshll.u32 s27, $0x1;
	_ =	strace $0x80000046;
	[dreg:$0x1] =	wrdreg $0xFFFFFFFF  }
0x25: {  	s28 =	simm.s32 $_size_execute0_lowered;
	s3 =	sadd.s32 s3, s5;
	[dreg:$0x0] =	wrdreg $0x0  }
0x26: {  	s5 =	sshll.u32 s28, $0x1;
	[dreg:$0x2] =	wrdreg s3  }
0x27: {  	[dreg:$0x3] =	wrdreg s5  }
0x28: {  	[dreg:$0x4] =	wrdreg $0xC0  }
0x29: {  	_ =	task [dreg:s7], $0x5FFFF  }
0x2a: {  	[dreg:$0x1] =	wrdreg $0xFFFFFFFF  }
0x2b: {  	[dreg:$0x0] =	wrdreg $0x60  }
0x2c: {  	[dreg:$0x2] =	wrdreg s25  }
0x2d: {  	[dreg:$0x3] =	wrdreg s17  }
0x2e: {  	[dreg:$0x4] =	wrdreg $0x9  }
0x2f: {  	_ =	task.clear_ibuf [dreg:s7], $0x5FFFF;
	_ =	strace $0x90000046  }
0x30: {  	s29 =	simm.s32 $0x9;
	_ =	strace $0x80000048  }
0x31: {  	_ =	swait.ge [sflag:s29], $0x1  }
0x32: {  	[sflag:s29] =	ssyncadd.s32 $0xFFFFFFFF  }
0x33: {  	_ =	strace $0x90000048  }
0x34: {  	_ =	sfence  }
0x35: {  	s30 =	sld [smem:$0x0];
	_ =	sdelay $0x2  }
0x36: {  	s31 =	sshll.u32 s1, $0xD;
	s1 =	sshrl.u32 s1, $0x2  }
0x37: {  	s3 =	sand.u32 $0x4000, s31;
	s1 =	sadd.s32 s1, s30  }
0x38: {  	s0 =	sor.u32 s3, s0;
	s1 =	sshll.u32 s1, $0x11  }
0x39: {  	s0 =	sor.u32 s1, s0  }
0x3a: {  	s0 =	sadd.s32 $0x8F2B, s0  }
0x3b: {  	[sflag:s0] =	ssyncadd.remote.s32 $0x1  }
0x3c: {  	_ =	sfence.sel $0xFFFF  }
0x3d: {  	[dreg:$0x0] =	wrdreg $0xFFFFFFFF;
	(pc) =	sbr.abs _section_cstart, $3  }
0x3e: {  	[dreg:$0x1] =	wrdreg $0xFFFFFFFF  }
0x3f: {  	_ =	task.clear_ibuf [dreg:s7], $0x2FFFF;
	_ =	strace $0x9FFFFFFF  }
0x40: {  	(tm) =	ssettm $0x7FFFFFFF  }
0x41: {  	_ =	shalt  }
tec
execute0_lowered:
.L_overlay_start_1:
0x0: {  	(tag) =	ssettag $0x1  }
0x1: {  	s0 =	srdreg.scid;
	s1 =	rddreg [dreg:$0x0]  }
0x2: {  	s3 =	rddreg [dreg:$0x1];
	s31 =	simm.s32 $0x2;
	s14 =	simm.s32 $0x0  }
0x3: {  	p0 =	por $0x0, $0x0;
	s8 =	simm.s32 $0x10000;
	s15 =	simm.s32 $0x0  }
0x4: {  	s17 =	simm.s32 $0x0;
	s16 =	simm.s32 $0x0;
	s0 =	sshll.u32 s0, $0x3  }
0x5: {  	s9 =	simm.s32 $0x0;
	s10 =	simm.s32 $0x0;
	s2 =	sand.u32 $0x8, s0  }
0x6: {  	s12 =	stileid.u32;
	s13 =	simm.s32 $0x0;
	s6 =	ssub.s32 $0x10, s2  }
.Ltmp0:
0x7: {  	s23 =	simm.s32 $0x0;
	s5 =	sshll.u32 s6, $0x1;
	(pc) =	sbr.rel .LBB1_1-.Ltmp0, $4  }
0x8: {  	s4 =	sadd.s32 $0x800E00, s1;
	s0 =	rddreg [dreg:$0x2];
	s7 =	sand.u32 $0x10, s5  }
0x9: {  	_ =	strace $0x80000047;
	s5 =	simm.s32 $0x1;
	s6 =	sadd.s32 s6, s7  }
0xa: {  	s1 =	stileid.u32;
	[sflag:s5] =	ssyncpa.u1 $0x0;
	s6 =	sand.u32 $0x30, s6  }
0xb: {  	s11 =	smov.u32 s2;
	[sflag:s31] =	ssyncpa.u1 $0x0;
	s7 =	sor.u32 $0x1, s6  }
.LBB1_7:
0xc: {  	s18 =	sadd.s32 $0x100, s9  }
0xd: {  	s14 =	sadd.s32 $0x8, s10;
	s19 =	smov.u32 s10;
	p2 =	sgt.s32 s18, $0xFFF  }
0xe: {  	s19 =	smov.u32 @p2 s14  }
0xf: {  	s20 =	smov.u32 s11;
	s14 =	sadd.s32 $0x10, s11;
	p3 =	sgt.s32 s19, $0x7  }
0x10: {  	s20 =	smov.u32 @p3 s14  }
0x11: {  	s21 =	smov.u32 s12;
	s14 =	sadd.s32 $0x10, s12;
	p4 =	sgt.s32 s20, $0xF  }
0x12: {  	p1 =	slt.u32 s13, $0x2;
	s21 =	smov.u32 @p4 s14  }
0x13: {  	s15 =	smov.u32 s10;
	s18 =	simm.s32 @p2 $0x0;
	p2 =	sgt.s32 s21, $0xF  }
0x14: {  	s22 =	simm.s32 @!p1 $0x2;
	s21 =	smov.u32 @p2 s1;
	p2 =	sne.s32 s13, s7  }
.Ltmp1:
0x15: {  	s17 =	smov.u32 s11;
	_ =	swait.ge @!p1 [sflag:s22], $0x4000;
	(pc) =	sbr.rel @!p2 .LBB1_8-.Ltmp1, $4  }
0x16: {  	s16 =	smov.u32 s12;
	[sflag:s22] =	ssyncset.done @!p1 $0x0;
	s19 =	simm.s32 @p3 $0x0  }
0x17: {  	p0 =	por !p0, !p0;
	[sflag:s22] =	ssyncadd.s32 @!p1 $0xFFFFC000;
	s10 =	smov.u32 s19  }
0x18: {  	s20 =	smov.u32 @p4 s2;
	s14 =	smov.u32 s9;
	s9 =	smov.u32 s18  }
0x19: {  	s11 =	smov.u32 s20;
	s13 =	sadd.s32 $0x1, s13;
	s12 =	smov.u32 s21  }
.LBB1_1:
0x1a: {  	p1 =	sge.u32 s13, s6  }
0x1b: {  	s31 =	sadd.s32 $0xFFFFFFFF, s13;
	s18 =	sxor.u32 @!p1 $0xFFFFFFFF, s13  }
0x1c: {  	s19 =	sshll.u32 @!p1 s10, $0x7;
	s20 =	sand.u32 @!p1 $0x78, s9;
	s21 =	sshll.u32 @!p1 s9, $0x3  }
0x1d: {  	s22 =	sand.u32 @!p1 $0xE00, s9;
	s18 =	sshll.u32 @!p1 s18, $0xE;
	s19 =	sand.u32 @!p1 $0x380, s19  }
0x1e: {  	s21 =	sand.u32 @!p1 $0xC00, s21;
	s19 =	sor.u32 @!p1 s19, s20;
	s20 =	sshll.u32 @!p1 s12, $0x10  }
0x1f: {  	s19 =	sor.u32 @!p1 s21, s19;
	s21 =	sshll.u32 @!p1 s11, $0xC;
	s20 =	sadd.s32 @!p1 s4, s20  }
0x20: {  	s18 =	sand.u32 @!p1 $0x4000, s18;
	s20 =	sadd.s32 @!p1 s21, s20;
	s21 =	sand.u32 @!p1 $0x7, s9  }
0x21: {  	s19 =	sshrl.u32 @!p1 s19, $0x3;
	s20 =	sadd.s32 @!p1 s22, s20;
	s21 =	sshll.u32 @!p1 s21, $0x12  }
0x22: {  	s19 =	sadd.s32 @!p1 s19, s20;
	s20 =	sor.u32 @!p1 $0x800, s21;
	s21 =	simm.s32 @!p1 $0x8000  }
0x23: {  	[tilespmem:s18], [sflag:$0x1] =	stream.strided.gather @!p1 [hbm4b:s19+s20], $0x4000, s21, s20, $0x38;
	[tilespmem:$0x10000] =	vst v63  }
0x24: {  	p1 =	sge.u32 s31, s6  }
.Ltmp2:
0x25: {  	_ = 	snop;
	(pc) =	sbr.rel @p1 .LBB1_7-.Ltmp2, $1  }
0x26: {  	_ =	sdelay $0x3  }
0x27: {  	s18 =	simm.s32 $0x1  }
0x28: {  	_ =	swait.ge [sflag:s5], $0x4000;
	s31 =	sshll.u32 s13, $0xE;
	p1 =	por $0x0, $0x0  }
0x29: {  	s24 =	simm.s32 $0x0;
	s25 =	simm.s32 $0x0;
	s18 =	simm.s32 @!p0 $0x0  }
0x2a: {  	[sflag:s5] =	ssyncset.done $0x0;
	s21 =	sand.u32 $0x4000, s31;
	s18 =	sshll.u32 s18, $0x10  }
0x2b: {  	[sflag:s5] =	ssyncadd.s32 $0xFFFFC000;
	s22 =	sshrl.u32 s18, $0x2;
	s18 =	sor.u32 $0x8000, s21  }
0x2c: {  	s19 =	sor.u32 $0x40, s22;
	s20 =	sor.u32 $0x8410, s22;
	s22 =	sadd.s32 $0x8400, s22  }
.LBB1_3:
0x2d: {  	v1 =	vld [tilespmem:s19+$0xFFFFFFD0]  }
0x2e: {  	v2 =	vld [tilespmem:s19+$0x430]  }
0x2f: {  	s26 =	sshll.u32 s25, $0xB;
	v4 =	vld [tilespmem:s19+$0xFFFFFFE0]  }
0x30: {  	v7 =	vld [tilespmem:s19+$0xFFFFFFF0];
	v0 =	vmov s26  }
0x31: {  	v8 =	vld [tilespmem:s19+$0x0]  }
0x32: {  	v9 =	vld [tilespmem:s19+$0x10];
	s26 =	sand.u32 $0x300, s23  }
0x33: {  	s27 =	sand.u32 $0x80, s23;
	v10 =	vld [tilespmem:s19+$0x20];
	s26 =	sadd.s32 s26, s21  }
0x34: {  	v11 =	vld [tilespmem:s19+$0x30];
	s26 =	sadd.s32 s27, s26;
	s27 =	simm.s32 $0x1;
	[tilespmem:s20+$0x60] =	vst v2  }
0x35: {  	s27 =	simm.s32 @!p1 $0x0;
	[tilespmem:s20+$0xFFFFFC00] =	vst v1;
	v3 =	vld.idx.msk [tilespmem:v0+s26+$0x400 ss:$0x1], $0xffff;
	s26 =	sshll.u32 s24, $0x2  }
0x36: {  	v6 =	vld [tilespmem:s19+$0x3D0];
	s27 =	sshll.u32 s27, $0x9;
	[tilespmem:s20+$0xFFFFFC10] =	vst v4;
	s26 =	sand.u32 $0xFFFFFC00, s26  }
0x37: {  	v5 =	vld [tilespmem:s19+$0x3E0];
	[tilespmem:s20+$0xFFFFFC20] =	vst v7;
	s26 =	sor.u32 s27, s26  }
0x38: {  	[tilespmem:s20+$0xFFFFFC30] =	vst v8;
	v4 =	vld [tilespmem:s19+$0x400];
	s26 =	sshrl.u32 s26, $0x2  }
0x39: {  	[tilespmem:s20+$0xFFFFFC40] =	vst v9;
	v1 =	vld [tilespmem:s19+$0x410];
	s26 =	sadd.s32 s26, s22  }
0x3a: {  	[tilespmem:s26+$0x0] =	vst v3;
	v3 =	vld [tilespmem:s19+$0x3F0]  }
0x3b: {  	s30 =	simm.s32 $0x80;
	s29 =	simm.s32 $0x100;
	[tilespmem:s20+$0xFFFFFC50] =	vst v10;
	v2 =	vld [tilespmem:s19+$0x420]  }
0x3c: {  	s28 =	smov.u32 s20;
	s31 =	sand.u32 $0x300, s30;
	v7 =	vld [tilespmem:s19+$0xFFFFFFC0];
	[tilespmem:s20+$0xFFFFFC60] =	vst v11;
	s27 =	sadd.s32 $0x80, s19  }
.LBB1_4:
0x3d: {  	p2 =	sne.s32 s29, $0x380;
	v8 =	vld [tilespmem:s27+$0xFFFFFFD0];
	s30 =	sand.u32 $0x80, s30;
	s31 =	sadd.s32 s31, s21;
	[tilespmem:s28+$0x0] =	vst v6  }
0x3e: {  	s31 =	sadd.s32 s30, s31;
	v6 =	vld [tilespmem:s27+$0x430];
	[tilespmem:s28+$0x10] =	vst v5;
	s30 =	smov.u32 s29  }
0x3f: {  	v5 =	vld.idx.msk [tilespmem:v0+s31+$0x400 ss:$0x1], $0xffff;
	[tilespmem:s28+$0x20] =	vst v3  }
0x40: {  	v3 =	vld [tilespmem:s27+$0xFFFFFFE0];
	[tilespmem:s28+$0x30] =	vst v4  }
0x41: {  	v4 =	vld [tilespmem:s27+$0xFFFFFFF0];
	[tilespmem:s28+$0xFFFFFBF0] =	vst v7  }
0x42: {  	v7 =	vld [tilespmem:s27+$0x0];
	[tilespmem:s28+$0x40] =	vst v1  }
0x43: {  	v1 =	vld [tilespmem:s27+$0x10];
	[tilespmem:s28+$0x50] =	vst v2;
	s28 =	sadd.s32 $0x800, s28  }
0x44: {  	s26 =	sadd.s32 $0x800, s26;
	v2 =	vld [tilespmem:s27+$0x20];
	[tilespmem:s28+$0x60] =	vst v6  }
0x45: {  	v9 =	vld [tilespmem:s27+$0x30];
	[tilespmem:s26+$0x0] =	vst v5  }
0x46: {  	[tilespmem:s28+$0xFFFFFC00] =	vst v8;
	v6 =	vld [tilespmem:s27+$0x3D0]  }
0x47: {  	[tilespmem:s28+$0xFFFFFC10] =	vst v3;
	v5 =	vld [tilespmem:s27+$0x3E0]  }
.Ltmp3:
0x48: {  	[tilespmem:s28+$0xFFFFFC20] =	vst v4;
	v3 =	vld [tilespmem:s27+$0x3F0];
	(pc) =	sbr.rel @p2 .LBB1_4-.Ltmp3, $4  }
0x49: {  	[tilespmem:s28+$0xFFFFFC30] =	vst v7;
	v4 =	vld [tilespmem:s27+$0x400]  }
0x4a: {  	[tilespmem:s28+$0xFFFFFC40] =	vst v1;
	v1 =	vld [tilespmem:s27+$0x410]  }
0x4b: {  	[tilespmem:s28+$0xFFFFFC50] =	vst v2;
	v2 =	vld [tilespmem:s27+$0x420]  }
0x4c: {  	s29 =	sadd.s32 $0x80, s29;
	s31 =	sand.u32 $0x300, s30;
	v7 =	vld [tilespmem:s27+$0xFFFFFFC0];
	[tilespmem:s28+$0xFFFFFC60] =	vst v9;
	s27 =	sadd.s32 $0x80, s27  }
0x4d: {  	[tilespmem:s28+$0x0] =	vst v6  }
0x4e: {  	[tilespmem:s28+$0x10] =	vst v5  }
0x4f: {  	v49 =	vld [tilespmem:s27+$0x430];
	[tilespmem:s28+$0x20] =	vst v3  }
0x50: {  	v50 =	vld [tilespmem:s27+$0xFFFFFFD0];
	[tilespmem:s28+$0x30] =	vst v4  }
0x51: {  	v51 =	vld [tilespmem:s27+$0xFFFFFFE0];
	[tilespmem:s28+$0x40] =	vst v1  }
0x52: {  	s29 =	sand.u32 $0x80, s30;
	s31 =	sadd.s32 s31, s21;
	v52 =	vld [tilespmem:s27+$0xFFFFFFF0];
	[tilespmem:s28+$0x50] =	vst v2  }
0x53: {  	v53 =	vld [tilespmem:s27+$0x0];
	s29 =	sadd.s32 s29, s31;
	s31 =	sadd.s32 $0x800, s28;
	[tilespmem:s28+$0xFFFFFBF0] =	vst v7  }
0x54: {  	v54 =	vld [tilespmem:s27+$0x10];
	[tilespmem:s31+$0x60] =	vst v49  }
0x55: {  	v55 =	vld [tilespmem:s27+$0x20];
	[tilespmem:s31+$0xFFFFFC00] =	vst v50  }
0x56: {  	v56 =	vld [tilespmem:s27+$0x30];
	[tilespmem:s31+$0xFFFFFC10] =	vst v51  }
0x57: {  	v57 =	vld [tilespmem:s27+$0x3D0];
	[tilespmem:s31+$0xFFFFFC20] =	vst v52  }
0x58: {  	v58 =	vld [tilespmem:s27+$0x3E0];
	[tilespmem:s31+$0xFFFFFC30] =	vst v53  }
0x59: {  	v59 =	vld [tilespmem:s27+$0x3F0];
	[tilespmem:s31+$0xFFFFFC40] =	vst v54  }
0x5a: {  	v60 =	vld [tilespmem:s27+$0x400];
	[tilespmem:s31+$0xFFFFFC50] =	vst v55  }
0x5b: {  	v61 =	vld [tilespmem:s27+$0xFFFFFFC0];
	[tilespmem:s31+$0xFFFFFC60] =	vst v56  }
0x5c: {  	v62 =	vld [tilespmem:s27+$0x410];
	[tilespmem:s31+$0x0] =	vst v57  }
0x5d: {  	v63 =	vld [tilespmem:s27+$0x420];
	s25 =	sadd.s32 $0x1, s25;
	[tilespmem:s31+$0x10] =	vst v58  }
0x5e: {  	p2 =	sne.s32 s25, $0x8;
	v0 =	vld.idx.msk [tilespmem:v0+s29+$0x400 ss:$0x1], $0xffff;
	[tilespmem:s31+$0x20] =	vst v59  }
.Ltmp4:
0x5f: {  	[tilespmem:s31+$0x30] =	vst v60;
	(pc) =	sbr.rel @p2 .LBB1_3-.Ltmp4, $4  }
0x60: {  	[tilespmem:s31+$0xFFFFFBF0] =	vst v61  }
0x61: {  	[tilespmem:s31+$0x40] =	vst v62  }
0x62: {  	s26 =	sadd.s32 $0x800, s26;
	s19 =	sadd.s32 $0x800, s19;
	[tilespmem:s31+$0x50] =	vst v63  }
0x63: {  	s24 =	sadd.s32 $0x80, s24;
	p1 =	por !p1, !p1;
	s20 =	sadd.s32 $0x80, s20;
	[tilespmem:s26+$0x0] =	vst v0  }
0x64: {  	s19 =	sand.u32 $0x78, s14;
	s20 =	sshll.u32 s17, $0x7;
	s28 =	sshll.u32 s17, $0xC  }
0x65: {  	s21 =	sshll.u32 s14, $0x3;
	s16 =	sshll.u32 s16, $0x10;
	s15 =	sshll.u32 s15, $0xD  }
0x66: {  	s30 =	sand.u32 $0x7, s14;
	s20 =	sand.u32 $0x380, s20;
	s17 =	sand.u32 $0x8000, s28  }
0x67: {  	s29 =	sand.u32 $0xC00, s21;
	s16 =	sadd.s32 s3, s16;
	s17 =	sadd.s32 s17, s21  }
.Ltmp5:
0x68: {  	s19 =	sor.u32 s20, s19;
	s17 =	sshrl.u32 s17, $0x3;
	(pc) =	sbr.rel .LBB1_7-.Ltmp5, $4  }
0x69: {  	s15 =	sadd.s32 s15, s16;
	s19 =	sor.u32 s29, s19;
	s17 =	sand.u32 $0x1E00, s17  }
0x6a: {  	s14 =	sshll.u32 s30, $0x12;
	s31 =	sshrl.u32 s19, $0x3;
	s15 =	sadd.s32 s17, s15  }
0x6b: {  	s14 =	sor.u32 $0x800, s14;
	s15 =	sadd.s32 s31, s15  }
0x6c: {  	[hbm4b:s15+s14] =	stream.strided.scatter [tilespmem:s18], [sflag:$0x2], $0x4000, s8, s14, $0x38;
	[tilespmem:$0x10000] =	vst v63  }
.LBB1_8:
0x6d: {  	_ =	sfence.sel $0x180000  }
0x6e: {  	s2 =	simm.s32 $0x1;
	[bflag:$0x0] =	sbarrier.arrive $0xFFFF  }
0x6f: {  	s31 =	simm.s32 $0x2;
	[sflag:s2] =	ssyncpa.u1 $0x1  }
0x70: {  	[sflag:s31] =	ssyncpa.u1 $0x1  }
0x71: {  	p0 =	sne.s32 s1, $0x0;
	_ =	strace $0x90000047  }
0x72: {  	s0 =	sadd.s32 @!p0 $0x100000, s0;
	[bflag:$0x2] =	sbarrier.arrive $0xFFFF  }
0x73: {  	[sflag:s0] =	ssyncadd.tile.s32 @!p0 $0x1;
	_ =	shalt  }
.Lfunc_end1:
_tile_overlayer_lowered:
.L_overlay_start_2:
0x74: {  	(tag) =	ssettag $0x2  }
0x75: {  	s0 =	rddreg [dreg:$0x0];
	s2 =	stileid.u32  }
0x76: {  	s1 =	rddreg [dreg:$0x1];
	p0 =	sne.s32 s2, $0x0  }
0x77: {  	s3 =	rddreg [dreg:$0x2];
	[bflag:$0x3] =	sbarrier.arrive $0xFFFF;
	s2 =	simm.s32 @!p0 $0x1C01  }
0x78: {  	[timem:s3], [sflag:s2] =	dma.local @!p0 [hbm:s0], s1  }
0x79: {  	s0 =	simm.s32 @!p0 $0x1  }
0x7a: {  	_ =	swait.ge @!p0 [sflag:s0], s1  }
0x7b: {  	s1 =	ssub.s32 @!p0 $0x0, s1;
	[sflag:s0] =	ssyncset.done @!p0 $0x0  }
0x7c: {  	[sflag:s0] =	ssyncadd.s32 @!p0 s1  }
0x7d: {  	[bflag:$0x3] =	sbarrier.arrive $0xFFFF  }
0x7e: {  	_ =	shalt  }

</sc_bundles>
